<compile_context>
chip_gen: v7x
topology: tpu7x:2x2x1
jax: 0.10.2.dev20260603
libtpu: 0.0.44.dev20260713+nightly
codegen_flags: <defaults>
</compile_context>

<pallas_src>
import functools

import jax
import jax.numpy as jnp
from jax import lax
from jax.experimental import pallas as pl
from jax.experimental.pallas import tpu as pltpu
from jax.experimental.pallas import tpu_sc as plsc

N_OUT = 10000
ACC_PAD = 10240
NC, NS = 2, 16
RB = 8000
CH = 80


def _mm_body(e_ref, w_ref, b_ref, h_ref):
    h = jax.lax.dot_general(
        e_ref[...].astype(jnp.bfloat16), w_ref[...],
        (((1,), (1,)), ((), ())),
        preferred_element_type=jnp.float32)
    h_ref[...] = jnp.maximum(h + b_ref[...], 0.0)


def _sc_body(h_hbm, idx_hbm, z_hbm, out_hbm,
             idx0, idx1, rows0, rows1, acc_sh, sem0, sem1):
    c = lax.axis_index("c")
    s = lax.axis_index("s")
    n_e = h_hbm.shape[0]
    rows_per_tile = n_e // (NC * NS)
    nbatch = rows_per_tile // CH
    seg_slice = ACC_PAD // NS

    pltpu.sync_copy(z_hbm.at[pl.ds(s * seg_slice, seg_slice)],
                    acc_sh.at[pl.ds(s * seg_slice, seg_slice)])
    plsc.subcore_barrier()

    base = (c * NS + s) * rows_per_tile

    pltpu.async_copy(idx_hbm.at[pl.ds(base, CH)], idx0, sem0)
    pltpu.async_copy(h_hbm.at[pl.ds(base, CH)], rows0, sem0)

    def step(j, carry):
        even = lax.rem(j, 2) == 0
        off = base + j * CH
        off2 = off + CH

        @pl.when(j + 1 < nbatch)
        def _issue_next():
            @pl.when(even)
            def _():
                pltpu.async_copy(idx_hbm.at[pl.ds(off2, CH)], idx1, sem1)
                pltpu.async_copy(h_hbm.at[pl.ds(off2, CH)], rows1, sem1)

            @pl.when(jnp.logical_not(even))
            def _():
                pltpu.async_copy(idx_hbm.at[pl.ds(off2, CH)], idx0, sem0)
                pltpu.async_copy(h_hbm.at[pl.ds(off2, CH)], rows0, sem0)

        @pl.when(even)
        def _consume0():
            pltpu.make_async_copy(idx_hbm.at[pl.ds(off, CH)], idx0, sem0).wait()
            pltpu.make_async_copy(h_hbm.at[pl.ds(off, CH)], rows0, sem0).wait()
            pltpu.sync_copy(rows0, acc_sh.at[idx0], add=True)

        @pl.when(jnp.logical_not(even))
        def _consume1():
            pltpu.make_async_copy(idx_hbm.at[pl.ds(off, CH)], idx1, sem1).wait()
            pltpu.make_async_copy(h_hbm.at[pl.ds(off, CH)], rows1, sem1).wait()
            pltpu.sync_copy(rows1, acc_sh.at[idx1], add=True)

        return carry

    lax.fori_loop(0, nbatch, step, 0)
    plsc.subcore_barrier()

    pltpu.sync_copy(acc_sh.at[pl.ds(s * seg_slice, seg_slice)],
                    out_hbm.at[c, pl.ds(s * seg_slice, seg_slice)])


def _merge_body(p_ref, o_ref):
    o_ref[...] = p_ref[0] + p_ref[1]


def kernel(e, index, W, b):
    n_e, d = e.shape
    nb = n_e // RB
    b2 = b.reshape(1, d)

    h = pl.pallas_call(
        _mm_body,
        grid=(nb,),
        in_specs=[
            pl.BlockSpec((RB, d), lambda i: (i, 0)),
            pl.BlockSpec((d, d), lambda i: (0, 0)),
            pl.BlockSpec((1, d), lambda i: (0, 0)),
        ],
        out_specs=pl.BlockSpec((RB, d), lambda i: (i, 0)),
        out_shape=jax.ShapeDtypeStruct((n_e, d), jnp.float32),
    )(e, W.astype(jnp.bfloat16), b2)

    zeros = jnp.zeros((ACC_PAD, d), jnp.float32)
    mesh = plsc.VectorSubcoreMesh(core_axis_name="c", subcore_axis_name="s")
    partials = pl.kernel(
        _sc_body,
        out_type=jax.ShapeDtypeStruct((NC, ACC_PAD, d), jnp.float32),
        mesh=mesh,
        scratch_types=[
            pltpu.VMEM((CH,), jnp.int32),
            pltpu.VMEM((CH,), jnp.int32),
            pltpu.VMEM((CH, d), jnp.float32),
            pltpu.VMEM((CH, d), jnp.float32),
            pltpu.VMEM_SHARED((ACC_PAD, d), jnp.float32),
            pltpu.SemaphoreType.DMA,
            pltpu.SemaphoreType.DMA,
        ],
    )(h, index, zeros)

    mb = 2000
    return pl.pallas_call(
        _merge_body,
        grid=(N_OUT // mb,),
        in_specs=[pl.BlockSpec((NC, mb, d), lambda i: (0, i, 0))],
        out_specs=pl.BlockSpec((mb, d), lambda i: (i, 0)),
        out_shape=jax.ShapeDtypeStruct((N_OUT, d), jnp.float32),
    )(partials)

# --- scband reference (transcript-rebuilt; emitter-appended) ---
"""Pipeline reference for scband-scatter-module-67774583931141 (READ-ONLY COPY).

The authoritative reference and input builder live on the scoring server;
editing this copy changes nothing except your own understanding.
"""

import jax, jax.numpy as jnp
import numpy as np

N_OUT = 10000
N_E = 320000
D = 128


def setup_inputs(seed: int = 0) -> dict:
    key = jax.random.key(seed)
    k1, k2, k3, k4 = jax.random.split(key, 4)
    e = jax.random.normal(k1, (N_E, D), dtype=jnp.float32)
    index = jnp.sort(jax.random.randint(k2, (N_E,), 0, N_OUT, dtype=jnp.int32))
    # Linear(in_features=D, out_features=D) params, torch-style init
    bound = 1.0 / np.sqrt(D)
    W = jax.random.uniform(k3, (D, D), dtype=jnp.float32, minval=-bound, maxval=bound)
    b = jax.random.uniform(k4, (D,), dtype=jnp.float32, minval=-bound, maxval=bound)
    return {"e": e, "index": index, "W": W, "b": b}


def reference(e, index, W, b):
    # network: Linear + ReLU
    h = jnp.maximum(e @ W.T + b, 0.0)
    # scatter-sum along dim 0 into (N_OUT, D), index broadcast over feature dim
    out = jax.ops.segment_sum(h, index, num_segments=N_OUT)
    return out

if __name__ == "__main__":
    import jax
    _d = setup_inputs()
    print(jax.jit(kernel)(*tuple(_d.values())))

</pallas_src>

<mosaic_0001>
#map = affine_map<(d0, d1) -> (0, 0)>
#map1 = affine_map<(d0, d1) -> (0)>
#map2 = affine_map<(d0, d1) -> (0, 0, 0)>
module attributes {stable_mosaic.version = 14 : i64} {
  func.func @_sc_body(%arg0: i32, %arg1: i32, %arg2: memref<320000x128xf32, #tpu.memory_space<hbm>>, %arg3: memref<320000xi32, #tpu.memory_space<hbm>>, %arg4: memref<10240x128xf32, #tpu.memory_space<hbm>>, %arg5: memref<2x10240x128xf32, #tpu.memory_space<hbm>>, %arg6: memref<80xi32, #tpu.memory_space<vmem>>, %arg7: memref<80xi32, #tpu.memory_space<vmem>>, %arg8: memref<80x128xf32, #tpu.memory_space<vmem>>, %arg9: memref<80x128xf32, #tpu.memory_space<vmem>>, %arg10: memref<10240x128xf32, #tpu.memory_space<vmem_shared>>, %arg11: memref<!tpu.dma_semaphore, #tpu.memory_space<semaphore_mem>>, %arg12: memref<!tpu.dma_semaphore, #tpu.memory_space<semaphore_mem>>) attributes {dimension_semantics = [#tpu.dimension_semantics<core_parallel>, #tpu.dimension_semantics<subcore_parallel>], iteration_bounds = array<i64: 2, 16>, scalar_prefetch = 0 : i64, scratch_operands = 7 : i64, tpu.core_type = #tpu.core_type<sc_vector_subcore>, window_params = [{transform_indices = #map}, {transform_indices = #map1}, {transform_indices = #map}, {transform_indices = #map2}]} {
    %mul3A = arith.constant 640 : i32
    %mul3A_0 = arith.muli %arg1, %mul3A : i32
    %mul3A_1 = arith.constant 640 : i32
    %mul3A_2 = arith.muli %arg1, %mul3A_1 : i32
    "tpu.region"() ({
      %run_scoped3A = tpu.sem_alloc : memref<!tpu.dma_semaphore, #tpu.memory_space<semaphore_mem>>
      %dma_start3A_22 = arith.constant 0 : i32
      %dma_start3A_23 = tpu.memref_slice %arg10[%mul3A_2, %dma_start3A_22] : memref<10240x128xf32, #tpu.memory_space<vmem_shared>> -> memref<640x128xf32, #tpu.memory_space<vmem_shared>>
      %dma_start3A_24 = arith.constant 0 : i32
      %dma_start3A_25 = tpu.memref_slice %arg4[%mul3A_0, %dma_start3A_24] : memref<10240x128xf32, #tpu.memory_space<hbm>> -> memref<640x128xf32, #tpu.memory_space<hbm>>
      tpu.enqueue_dma source(%dma_start3A_25 : memref<640x128xf32, #tpu.memory_space<hbm>>) target(%dma_start3A_23 : memref<640x128xf32, #tpu.memory_space<vmem_shared>>) target_semaphore(%run_scoped3A : memref<!tpu.dma_semaphore, #tpu.memory_space<semaphore_mem>>)
      %dma_wait3A = arith.constant 0 : i32
      %dma_wait3A_26 = tpu.memref_slice %arg10[%mul3A_2, %dma_wait3A] : memref<10240x128xf32, #tpu.memory_space<vmem_shared>> -> memref<640x128xf32, #tpu.memory_space<vmem_shared>>
      %dma_wait3A_27 = arith.constant 0 : i32
      %dma_wait3A_28 = tpu.memref_slice %arg4[%mul3A_0, %dma_wait3A_27] : memref<10240x128xf32, #tpu.memory_space<hbm>> -> memref<640x128xf32, #tpu.memory_space<hbm>>
      tpu.wait_dma2 semaphore(%run_scoped3A : memref<!tpu.dma_semaphore, #tpu.memory_space<semaphore_mem>>) src(%dma_wait3A_28 : memref<640x128xf32, #tpu.memory_space<hbm>>) dst(%dma_wait3A_26 : memref<640x128xf32, #tpu.memory_space<vmem_shared>>)
      tpu.yield
    }) : () -> ()
    %barrier3A = arith.constant 0 : index
    tpu.barrier barrier_id(%barrier3A)
    %mul3A_3 = arith.constant 16 : i32
    %mul3A_4 = arith.muli %arg0, %mul3A_3 : i32
    %add3A = arith.addi %mul3A_4, %arg1 : i32
    %mul3A_5 = arith.constant 10000 : i32
    %mul3A_6 = arith.muli %add3A, %mul3A_5 : i32
    %dma_start3A = tpu.memref_slice %arg3[%mul3A_6] : memref<320000xi32, #tpu.memory_space<hbm>> -> memref<80xi32, #tpu.memory_space<hbm>>
    %dma_start3A_7 = tpu.memref_slice %arg3[%mul3A_6] : memref<320000xi32, #tpu.memory_space<hbm>> -> memref<80xi32, #tpu.memory_space<hbm>>
    tpu.enqueue_dma source(%dma_start3A_7 : memref<80xi32, #tpu.memory_space<hbm>>) target(%arg6 : memref<80xi32, #tpu.memory_space<vmem>>) target_semaphore(%arg11 : memref<!tpu.dma_semaphore, #tpu.memory_space<semaphore_mem>>)
    %dma_start3A_8 = arith.constant 0 : i32
    %dma_start3A_9 = tpu.memref_slice %arg2[%mul3A_6, %dma_start3A_8] : memref<320000x128xf32, #tpu.memory_space<hbm>> -> memref<80x128xf32, #tpu.memory_space<hbm>>
    %dma_start3A_10 = arith.constant 0 : i32
    %dma_start3A_11 = tpu.memref_slice %arg2[%mul3A_6, %dma_start3A_10] : memref<320000x128xf32, #tpu.memory_space<hbm>> -> memref<80x128xf32, #tpu.memory_space<hbm>>
    tpu.enqueue_dma source(%dma_start3A_11 : memref<80x128xf32, #tpu.memory_space<hbm>>) target(%arg8 : memref<80x128xf32, #tpu.memory_space<vmem>>) target_semaphore(%arg11 : memref<!tpu.dma_semaphore, #tpu.memory_space<semaphore_mem>>)
    %scan3A = arith.constant 0 : i32
    %scan3A_12 = arith.constant 0 : i32
    %scan3A_13 = arith.constant 125 : i32
    %scan3A_14 = arith.addi %scan3A_12, %scan3A_13 : i32
    %scan3A_15 = arith.constant 1 : i32
    scf.for %scan3A_22 = %scan3A_12 to %scan3A_14 step %scan3A_15  : i32 {
      %rem3A = arith.constant 2 : i32
      %rem3A_23 = arith.remsi %scan3A_22, %rem3A : i32
      %eq3A = arith.constant 0 : i32
      %eq3A_24 = arith.cmpi eq, %rem3A_23, %eq3A : i32
      %mul3A_25 = arith.constant 80 : i32
      %mul3A_26 = arith.muli %scan3A_22, %mul3A_25 : i32
      %add3A_27 = arith.addi %mul3A_6, %mul3A_26 : i32
      %add3A_28 = arith.constant 80 : i32
      %add3A_29 = arith.addi %add3A_27, %add3A_28 : i32
      %add3A_30 = arith.constant 1 : i32
      %add3A_31 = arith.addi %scan3A_22, %add3A_30 : i32
      %lt3A = arith.constant 125 : i32
      %lt3A_32 = arith.cmpi slt, %add3A_31, %lt3A : i32
      %convert_element_type3A = arith.extui %lt3A_32 : i1 to i32
      %cond3A = arith.constant 0 : i32
      %cond3A_33 = arith.cmpi ne, %convert_element_type3A, %cond3A : i32
      scf.if %cond3A_33 {
        %convert_element_type3A_41 = arith.extui %eq3A_24 : i1 to i32
        %cond3A_42 = arith.constant 0 : i32
        %cond3A_43 = arith.cmpi ne, %convert_element_type3A_41, %cond3A_42 : i32
        scf.if %cond3A_43 {
          %dma_start3A_49 = tpu.memref_slice %arg3[%add3A_29] : memref<320000xi32, #tpu.memory_space<hbm>> -> memref<80xi32, #tpu.memory_space<hbm>>
          %dma_start3A_50 = tpu.memref_slice %arg3[%add3A_29] : memref<320000xi32, #tpu.memory_space<hbm>> -> memref<80xi32, #tpu.memory_space<hbm>>
          tpu.enqueue_dma source(%dma_start3A_50 : memref<80xi32, #tpu.memory_space<hbm>>) target(%arg7 : memref<80xi32, #tpu.memory_space<vmem>>) target_semaphore(%arg12 : memref<!tpu.dma_semaphore, #tpu.memory_space<semaphore_mem>>)
          %dma_start3A_51 = arith.constant 0 : i32
          %dma_start3A_52 = tpu.memref_slice %arg2[%add3A_29, %dma_start3A_51] : memref<320000x128xf32, #tpu.memory_space<hbm>> -> memref<80x128xf32, #tpu.memory_space<hbm>>
          %dma_start3A_53 = arith.constant 0 : i32
          %dma_start3A_54 = tpu.memref_slice %arg2[%add3A_29, %dma_start3A_53] : memref<320000x128xf32, #tpu.memory_space<hbm>> -> memref<80x128xf32, #tpu.memory_space<hbm>>
          tpu.enqueue_dma source(%dma_start3A_54 : memref<80x128xf32, #tpu.memory_space<hbm>>) target(%arg9 : memref<80x128xf32, #tpu.memory_space<vmem>>) target_semaphore(%arg12 : memref<!tpu.dma_semaphore, #tpu.memory_space<semaphore_mem>>)
        } else {
        }
        %not3A_44 = arith.constant true
        %not3A_45 = arith.xori %eq3A_24, %not3A_44 : i1
        %convert_element_type3A_46 = arith.extui %not3A_45 : i1 to i32
        %cond3A_47 = arith.constant 0 : i32
        %cond3A_48 = arith.cmpi ne, %convert_element_type3A_46, %cond3A_47 : i32
        scf.if %cond3A_48 {
          %dma_start3A_49 = tpu.memref_slice %arg3[%add3A_29] : memref<320000xi32, #tpu.memory_space<hbm>> -> memref<80xi32, #tpu.memory_space<hbm>>
          %dma_start3A_50 = tpu.memref_slice %arg3[%add3A_29] : memref<320000xi32, #tpu.memory_space<hbm>> -> memref<80xi32, #tpu.memory_space<hbm>>
          tpu.enqueue_dma source(%dma_start3A_50 : memref<80xi32, #tpu.memory_space<hbm>>) target(%arg6 : memref<80xi32, #tpu.memory_space<vmem>>) target_semaphore(%arg11 : memref<!tpu.dma_semaphore, #tpu.memory_space<semaphore_mem>>)
          %dma_start3A_51 = arith.constant 0 : i32
          %dma_start3A_52 = tpu.memref_slice %arg2[%add3A_29, %dma_start3A_51] : memref<320000x128xf32, #tpu.memory_space<hbm>> -> memref<80x128xf32, #tpu.memory_space<hbm>>
          %dma_start3A_53 = arith.constant 0 : i32
          %dma_start3A_54 = tpu.memref_slice %arg2[%add3A_29, %dma_start3A_53] : memref<320000x128xf32, #tpu.memory_space<hbm>> -> memref<80x128xf32, #tpu.memory_space<hbm>>
          tpu.enqueue_dma source(%dma_start3A_54 : memref<80x128xf32, #tpu.memory_space<hbm>>) target(%arg8 : memref<80x128xf32, #tpu.memory_space<vmem>>) target_semaphore(%arg11 : memref<!tpu.dma_semaphore, #tpu.memory_space<semaphore_mem>>)
        } else {
        }
      } else {
      }
      %convert_element_type3A_34 = arith.extui %eq3A_24 : i1 to i32
      %cond3A_35 = arith.constant 0 : i32
      %cond3A_36 = arith.cmpi ne, %convert_element_type3A_34, %cond3A_35 : i32
      scf.if %cond3A_36 {
        %dma_wait3A = tpu.memref_slice %arg3[%add3A_27] : memref<320000xi32, #tpu.memory_space<hbm>> -> memref<80xi32, #tpu.memory_space<hbm>>
        %dma_wait3A_41 = tpu.memref_slice %arg3[%add3A_27] : memref<320000xi32, #tpu.memory_space<hbm>> -> memref<80xi32, #tpu.memory_space<hbm>>
        tpu.wait_dma2 semaphore(%arg11 : memref<!tpu.dma_semaphore, #tpu.memory_space<semaphore_mem>>) src(%dma_wait3A_41 : memref<80xi32, #tpu.memory_space<hbm>>) dst(%arg6 : memref<80xi32, #tpu.memory_space<vmem>>)
        %dma_wait3A_42 = arith.constant 0 : i32
        %dma_wait3A_43 = tpu.memref_slice %arg2[%add3A_27, %dma_wait3A_42] : memref<320000x128xf32, #tpu.memory_space<hbm>> -> memref<80x128xf32, #tpu.memory_space<hbm>>
        %dma_wait3A_44 = arith.constant 0 : i32
        %dma_wait3A_45 = tpu.memref_slice %arg2[%add3A_27, %dma_wait3A_44] : memref<320000x128xf32, #tpu.memory_space<hbm>> -> memref<80x128xf32, #tpu.memory_space<hbm>>
        tpu.wait_dma2 semaphore(%arg11 : memref<!tpu.dma_semaphore, #tpu.memory_space<semaphore_mem>>) src(%dma_wait3A_45 : memref<80x128xf32, #tpu.memory_space<hbm>>) dst(%arg8 : memref<80x128xf32, #tpu.memory_space<vmem>>)
        "tpu.region"() ({
          %run_scoped3A = tpu.sem_alloc : memref<!tpu.dma_semaphore, #tpu.memory_space<semaphore_mem>>
          %dma_start3A_46 = arith.constant 0 : i32
          %dma_start3A_47 = arith.constant 0 : i32
          %dma_start3A_48 = tpu.memref_slice %arg10[%dma_start3A_46, %dma_start3A_47] : memref<10240x128xf32, #tpu.memory_space<vmem_shared>> -> memref<10240x128xf32, #tpu.memory_space<vmem_shared>>
          tpu.enqueue_indirect_dma source(%arg8 : memref<80x128xf32, #tpu.memory_space<vmem>>) target(%dma_start3A_48 : memref<10240x128xf32, #tpu.memory_space<vmem_shared>>) offsets(%arg6 : memref<80xi32, #tpu.memory_space<vmem>>) semaphore(%run_scoped3A : memref<!tpu.dma_semaphore, #tpu.memory_space<semaphore_mem>>) {add = true}
          %dma_wait3A_49 = arith.constant 0 : i32
          %dma_wait3A_50 = arith.constant 0 : i32
          %dma_wait3A_51 = tpu.memref_slice %arg10[%dma_wait3A_49, %dma_wait3A_50] : memref<10240x128xf32, #tpu.memory_space<vmem_shared>> -> memref<10240x128xf32, #tpu.memory_space<vmem_shared>>
          tpu.wait_indirect_dma semaphore(%run_scoped3A : memref<!tpu.dma_semaphore, #tpu.memory_space<semaphore_mem>>) src(%arg8 : memref<80x128xf32, #tpu.memory_space<vmem>>) dst(%dma_wait3A_51 : memref<10240x128xf32, #tpu.memory_space<vmem_shared>>)
          tpu.yield
        }) : () -> ()
      } else {
      }
      %not3A = arith.constant true
      %not3A_37 = arith.xori %eq3A_24, %not3A : i1
      %convert_element_type3A_38 = arith.extui %not3A_37 : i1 to i32
      %cond3A_39 = arith.constant 0 : i32
      %cond3A_40 = arith.cmpi ne, %convert_element_type3A_38, %cond3A_39 : i32
      scf.if %cond3A_40 {
        %dma_wait3A = tpu.memref_slice %arg3[%add3A_27] : memref<320000xi32, #tpu.memory_space<hbm>> -> memref<80xi32, #tpu.memory_space<hbm>>
        %dma_wait3A_41 = tpu.memref_slice %arg3[%add3A_27] : memref<320000xi32, #tpu.memory_space<hbm>> -> memref<80xi32, #tpu.memory_space<hbm>>
        tpu.wait_dma2 semaphore(%arg12 : memref<!tpu.dma_semaphore, #tpu.memory_space<semaphore_mem>>) src(%dma_wait3A_41 : memref<80xi32, #tpu.memory_space<hbm>>) dst(%arg7 : memref<80xi32, #tpu.memory_space<vmem>>)
        %dma_wait3A_42 = arith.constant 0 : i32
        %dma_wait3A_43 = tpu.memref_slice %arg2[%add3A_27, %dma_wait3A_42] : memref<320000x128xf32, #tpu.memory_space<hbm>> -> memref<80x128xf32, #tpu.memory_space<hbm>>
        %dma_wait3A_44 = arith.constant 0 : i32
        %dma_wait3A_45 = tpu.memref_slice %arg2[%add3A_27, %dma_wait3A_44] : memref<320000x128xf32, #tpu.memory_space<hbm>> -> memref<80x128xf32, #tpu.memory_space<hbm>>
        tpu.wait_dma2 semaphore(%arg12 : memref<!tpu.dma_semaphore, #tpu.memory_space<semaphore_mem>>) src(%dma_wait3A_45 : memref<80x128xf32, #tpu.memory_space<hbm>>) dst(%arg9 : memref<80x128xf32, #tpu.memory_space<vmem>>)
        "tpu.region"() ({
          %run_scoped3A = tpu.sem_alloc : memref<!tpu.dma_semaphore, #tpu.memory_space<semaphore_mem>>
          %dma_start3A_46 = arith.constant 0 : i32
          %dma_start3A_47 = arith.constant 0 : i32
          %dma_start3A_48 = tpu.memref_slice %arg10[%dma_start3A_46, %dma_start3A_47] : memref<10240x128xf32, #tpu.memory_space<vmem_shared>> -> memref<10240x128xf32, #tpu.memory_space<vmem_shared>>
          tpu.enqueue_indirect_dma source(%arg9 : memref<80x128xf32, #tpu.memory_space<vmem>>) target(%dma_start3A_48 : memref<10240x128xf32, #tpu.memory_space<vmem_shared>>) offsets(%arg7 : memref<80xi32, #tpu.memory_space<vmem>>) semaphore(%run_scoped3A : memref<!tpu.dma_semaphore, #tpu.memory_space<semaphore_mem>>) {add = true}
          %dma_wait3A_49 = arith.constant 0 : i32
          %dma_wait3A_50 = arith.constant 0 : i32
          %dma_wait3A_51 = tpu.memref_slice %arg10[%dma_wait3A_49, %dma_wait3A_50] : memref<10240x128xf32, #tpu.memory_space<vmem_shared>> -> memref<10240x128xf32, #tpu.memory_space<vmem_shared>>
          tpu.wait_indirect_dma semaphore(%run_scoped3A : memref<!tpu.dma_semaphore, #tpu.memory_space<semaphore_mem>>) src(%arg9 : memref<80x128xf32, #tpu.memory_space<vmem>>) dst(%dma_wait3A_51 : memref<10240x128xf32, #tpu.memory_space<vmem_shared>>)
          tpu.yield
        }) : () -> ()
      } else {
      }
    }
    %scan3A_16 = arith.constant 125 : i32
    %barrier3A_17 = arith.constant 0 : index
    tpu.barrier barrier_id(%barrier3A_17)
    %mul3A_18 = arith.constant 640 : i32
    %mul3A_19 = arith.muli %arg1, %mul3A_18 : i32
    %mul3A_20 = arith.constant 640 : i32
    %mul3A_21 = arith.muli %arg1, %mul3A_20 : i32
    "tpu.region"() ({
      %run_scoped3A = tpu.sem_alloc : memref<!tpu.dma_semaphore, #tpu.memory_space<semaphore_mem>>
      %dma_start3A_22 = arith.constant 0 : i32
      %dma_start3A_23 = tpu.memref_slice %arg5[%arg0, %mul3A_21, %dma_start3A_22] : memref<2x10240x128xf32, #tpu.memory_space<hbm>> -> memref<1x640x128xf32, #tpu.memory_space<hbm>>
      %dma_start3A_24 = tpu.memref_squeeze %dma_start3A_23 : memref<1x640x128xf32, #tpu.memory_space<hbm>> -> memref<640x128xf32, #tpu.memory_space<hbm>>
      %dma_start3A_25 = arith.constant 0 : i32
      %dma_start3A_26 = tpu.memref_slice %arg10[%mul3A_19, %dma_start3A_25] : memref<10240x128xf32, #tpu.memory_space<vmem_shared>> -> memref<640x128xf32, #tpu.memory_space<vmem_shared>>
      tpu.enqueue_dma source(%dma_start3A_26 : memref<640x128xf32, #tpu.memory_space<vmem_shared>>) target(%dma_start3A_24 : memref<640x128xf32, #tpu.memory_space<hbm>>) target_semaphore(%run_scoped3A : memref<!tpu.dma_semaphore, #tpu.memory_space<semaphore_mem>>)
      %dma_wait3A = arith.constant 0 : i32
      %dma_wait3A_27 = tpu.memref_slice %arg5[%arg0, %mul3A_21, %dma_wait3A] : memref<2x10240x128xf32, #tpu.memory_space<hbm>> -> memref<1x640x128xf32, #tpu.memory_space<hbm>>
      %dma_wait3A_28 = tpu.memref_squeeze %dma_wait3A_27 : memref<1x640x128xf32, #tpu.memory_space<hbm>> -> memref<640x128xf32, #tpu.memory_space<hbm>>
      %dma_wait3A_29 = arith.constant 0 : i32
      %dma_wait3A_30 = tpu.memref_slice %arg10[%mul3A_19, %dma_wait3A_29] : memref<10240x128xf32, #tpu.memory_space<vmem_shared>> -> memref<640x128xf32, #tpu.memory_space<vmem_shared>>
      tpu.wait_dma2 semaphore(%run_scoped3A : memref<!tpu.dma_semaphore, #tpu.memory_space<semaphore_mem>>) src(%dma_wait3A_30 : memref<640x128xf32, #tpu.memory_space<vmem_shared>>) dst(%dma_wait3A_28 : memref<640x128xf32, #tpu.memory_space<hbm>>)
      tpu.yield
    }) : () -> ()
    return
  }
}

module attributes {stable_mosaic.version = 14 : i64} {
  func.func @_mm_body(%arg0: i32, %arg1: memref<8000x128xf32, #tpu.memory_space<vmem>>, %arg2: memref<128x128xbf16, #tpu.memory_space<vmem>>, %arg3: memref<1x128xf32, #tpu.memory_space<vmem>>, %arg4: memref<8000x128xf32, #tpu.memory_space<vmem>>) attributes {dimension_semantics = [#tpu.dimension_semantics<arbitrary>], iteration_bounds = array<i64: 40>, scalar_prefetch = 0 : i64, scratch_operands = 0 : i64, tpu.core_type = #tpu.core_type<tc>, window_params = [{transform_indices = @transform_0, window_bounds = array<i64: 8000, 128>}, {pipeline_mode = #tpu.pipeline_mode<synchronous>, transform_indices = @transform_1, window_bounds = array<i64: 128, 128>}, {pipeline_mode = #tpu.pipeline_mode<synchronous>, transform_indices = @transform_2, window_bounds = array<i64: 1, 128>}, {transform_indices = @transform_3, window_bounds = array<i64: 8000, 128>}]} {
    %get3A = arith.constant 0 : index
    %get3A_0 = arith.constant 0 : index
    %get3A_1 = vector.load %arg1[%get3A, %get3A_0] : memref<8000x128xf32, #tpu.memory_space<vmem>>, vector<8000x128xf32>
    %convert_element_type3A = arith.truncf %get3A_1 : vector<8000x128xf32> to vector<8000x128xbf16>
    %get3A_2 = arith.constant 0 : index
    %get3A_3 = arith.constant 0 : index
    %get3A_4 = vector.load %arg2[%get3A_2, %get3A_3] : memref<128x128xbf16, #tpu.memory_space<vmem>>, vector<128x128xbf16>
    %dot_general3A = arith.constant dense<0.000000e+00> : vector<8000x128xf32>
    %dot_general3A_5 = tpu.matmul %convert_element_type3A, %get3A_4, %dot_general3A {dimension_numbers = #tpu.dot_dimension_numbers<[1], [1], [0], [0], [0, 0, 1, 0], [], []>, transpose_lhs_hint = false} : vector<8000x128xbf16>, vector<128x128xbf16>, vector<8000x128xf32> -> vector<8000x128xf32>
    %get3A_6 = arith.constant 0 : index
    %get3A_7 = arith.constant 0 : index
    %get3A_8 = vector.load %arg3[%get3A_6, %get3A_7] : memref<1x128xf32, #tpu.memory_space<vmem>>, vector<1x128xf32>
    %add3A = vector.broadcast %get3A_8 : vector<1x128xf32> to vector<8000x128xf32>
    %add3A_9 = arith.addf %dot_general3A_5, %add3A : vector<8000x128xf32>
    %max3A = arith.constant 0.000000e+00 : f32
    %max3A_10 = vector.broadcast %max3A : f32 to vector<8000x128xf32>
    %max3A_11 = arith.maximumf %add3A_9, %max3A_10 : vector<8000x128xf32>
    %swap3A = arith.constant 0 : index
    %swap3A_12 = arith.constant 0 : index
    %swap3A_13 = vector.load %arg4[%swap3A, %swap3A_12] : memref<8000x128xf32, #tpu.memory_space<vmem>>, vector<8000x128xf32>
    tpu.vector_store %arg4[%swap3A, %swap3A_12], %max3A_11 {strides = array<i32>} : memref<8000x128xf32, #tpu.memory_space<vmem>>, vector<8000x128xf32>,
    return
  }
  func.func @transform_0(%arg0: i32) -> (i32, i32) {
    %c0_i32 = arith.constant 0 : i32
    %c0_i32_0 = arith.constant 0 : i32
    return %arg0, %c0_i32 : i32, i32
  }
  func.func @transform_1(%arg0: i32) -> (i32, i32) {
    %c0_i32 = arith.constant 0 : i32
    %c0_i32_0 = arith.constant 0 : i32
    %c0_i32_1 = arith.constant 0 : i32
    return %c0_i32, %c0_i32_0 : i32, i32
  }
  func.func @transform_2(%arg0: i32) -> (i32, i32) {
    %c0_i32 = arith.constant 0 : i32
    %c0_i32_0 = arith.constant 0 : i32
    %c0_i32_1 = arith.constant 0 : i32
    return %c0_i32, %c0_i32_0 : i32, i32
  }
  func.func @transform_3(%arg0: i32) -> (i32, i32) {
    %c0_i32 = arith.constant 0 : i32
    %c0_i32_0 = arith.constant 0 : i32
    return %arg0, %c0_i32 : i32, i32
  }
}

module attributes {stable_mosaic.version = 14 : i64} {
  func.func @_merge_body(%arg0: i32, %arg1: memref<2x2000x128xf32, #tpu.memory_space<vmem>>, %arg2: memref<2000x128xf32, #tpu.memory_space<vmem>>) attributes {dimension_semantics = [#tpu.dimension_semantics<arbitrary>], iteration_bounds = array<i64: 5>, scalar_prefetch = 0 : i64, scratch_operands = 0 : i64, tpu.core_type = #tpu.core_type<tc>, window_params = [{transform_indices = @transform_0, window_bounds = array<i64: 2, 2000, 128>}, {transform_indices = @transform_1, window_bounds = array<i64: 2000, 128>}]} {
    %get3A = arith.constant 0 : index
    %get3A_0 = arith.constant 0 : index
    %get3A_1 = arith.constant 0 : index
    %get3A_2 = vector.load %arg1[%get3A, %get3A_0, %get3A_1] : memref<2x2000x128xf32, #tpu.memory_space<vmem>>, vector<1x2000x128xf32>
    %get3A_3 = vector.shape_cast %get3A_2 : vector<1x2000x128xf32> to vector<2000x128xf32>
    %get3A_4 = arith.constant 1 : index
    %get3A_5 = arith.constant 0 : index
    %get3A_6 = arith.constant 0 : index
    %get3A_7 = vector.load %arg1[%get3A_4, %get3A_5, %get3A_6] : memref<2x2000x128xf32, #tpu.memory_space<vmem>>, vector<1x2000x128xf32>
    %get3A_8 = vector.shape_cast %get3A_7 : vector<1x2000x128xf32> to vector<2000x128xf32>
    %add3A = arith.addf %get3A_3, %get3A_8 : vector<2000x128xf32>
    %swap3A = arith.constant 0 : index
    %swap3A_9 = arith.constant 0 : index
    %swap3A_10 = vector.load %arg2[%swap3A, %swap3A_9] : memref<2000x128xf32, #tpu.memory_space<vmem>>, vector<2000x128xf32>
    tpu.vector_store %arg2[%swap3A, %swap3A_9], %add3A {strides = array<i32>} : memref<2000x128xf32, #tpu.memory_space<vmem>>, vector<2000x128xf32>,
    return
  }
  func.func @transform_0(%arg0: i32) -> (i32, i32, i32) {
    %c0_i32 = arith.constant 0 : i32
    %c0_i32_0 = arith.constant 0 : i32
    %c0_i32_1 = arith.constant 0 : i32
    return %c0_i32, %arg0, %c0_i32_0 : i32, i32, i32
  }
  func.func @transform_1(%arg0: i32) -> (i32, i32) {
    %c0_i32 = arith.constant 0 : i32
    %c0_i32_0 = arith.constant 0 : i32
    return %arg0, %c0_i32 : i32, i32
  }
}

</mosaic_0001>

<sc_bundles>
// kernel: kernel.5.cloned.1.call-start
scs
__scs_entry_jumppad:
0x0: {  	(pc) =	sbr.rel $0x88, $3  }
0x1: {  	(tag) =	ssettag $0x0;
	lr =	simm.s32 $0x1  }
0x2: {  	[smem:$0x3F9D] =	sst lr;
	_ =	strace $0xD0000000  }
0x3: {  	_ = 	snop  }
0x4: {  	_ = 	snop  }
0x5: {  	_ = 	snop  }
0x6: {  	_ = 	snop  }
0x7: {  	_ = 	snop  }
__scs_overlays_trampoline_lowered:
0x8: {  	[smem:$0x3FAC] =	sst s0  }
0x9: {  	[smem:$0x3FAD] =	sst s1  }
0xa: {  	[smem:$0x3FAE] =	sst s2  }
0xb: {  	[smem:$0x3FAF] =	sst s3  }
0xc: {  	[smem:$0x3FB0] =	sst s4  }
0xd: {  	[smem:$0x3FB1] =	sst s5  }
0xe: {  	[smem:$0x3FB2] =	sst s6  }
0xf: {  	[smem:$0x3FB3] =	sst s7  }
0x10: {  	[smem:$0x3FB4] =	sst s8  }
0x11: {  	[smem:$0x3FB5] =	sst s9;
	s0 =	simm.s32 @!p0 $0x0  }
0x12: {  	s1 =	sld [smem:$0x3F9B];
	s0 =	simm.s32 @p0 $0x1  }
0x13: {  	[smem:$0x3FB6] =	sst s0;
	s0 =	simm.s32 @!p1 $0x0  }
0x14: {  	s2 =	sld [smem:$0x3F9A];
	s0 =	simm.s32 @p1 $0x1  }
0x15: {  	[smem:$0x3FB7] =	sst s0;
	s0 =	simm.s32 @!p2 $0x0  }
0x16: {  	s3 =	sld [smem:$0x3FDB];
	s0 =	simm.s32 @p2 $0x1  }
0x17: {  	s4 =	simm.s32 $0x1BF5;
	[smem:$0x3FB9] =	sst s0  }
0x18: {  	s0 =	sld [smem:$0x3F9C];
	_ =	swait.ge [sflag:s4], $0x0  }
0x19: {  	s7 =	sld [smem:$0x3F9D]  }
0x1a: {  	s8 =	sadd.s32 $0xFFFFE003, lr  }
0x1b: {  	s9 =	sadd.s32 $0xFFFFFEF7, lr;
	s5 =	simm.s32 $0xFFFFFFFF;
	p2 =	slt.u32 s8, $0xFFFFF086  }
0x1c: {  	p1 =	slt.u32 s9, $0xF7A;
	s5 =	simm.s32 @!p2 $0x0  }
0x1d: {  	s5 =	simm.s32 @p1 $0x1;
	p0 =	seq.s32 s7, s2  }
0x1e: {  	s7 =	smul.u32 @!p0 $0xF7A, s2;
	p2 =	seq.s32 @!p0 s5, $0x0  }
0x1f: {  	s9 =	smul.u32 $0xF7A, s1;
	s8 =	simm.s32 @!p0 $0x1BF5;
	p2 =	por !p2, p0  }
0x20: {  	[sflag:s8] =	ssyncset.s32 @!p0 $0xFFFFF086;
	s6 =	sadd.s32 @!p0 s3, s7;
	s7 =	simm.s32 @!p0 $0x108  }
0x21: {  	s3 =	sadd.s32 s3, s9;
	s6 =	sadd.s32 @!p0 $0x88, s6;
	s7 =	simm.s32 @p2 $0x1082  }
0x22: {  	[simem:s7], [sflag:s8] =	dma.local @!p0 [hbm:s6], $0xF7A  }
0x23: {  	s9 =	sor.u32 $0xD0000000, s2;
	s6 =	simm.s32 $0x108;
	_ =	swait.ge @!p0 [sflag:s8], $0x0  }
0x24: {  	s3 =	sadd.s32 $0x88, s3;
	s6 =	simm.s32 @!p1 $0x1082;
	[sflag:s4] =	ssyncset.s32 $0xFFFFF086  }
0x25: {  	[simem:s6], [sflag:s4] =	dma.local [hbm:s3], $0xF7A  }
0x26: {  	[smem:$0x3F9D] =	sst s1;
	(tag) =	ssettag s2;
	_ =	strace s9  }
0x27: {  	s1 =	sld [smem:$0x3FAD]  }
0x28: {  	s2 =	sld [smem:$0x3FAE]  }
0x29: {  	s4 =	sld [smem:$0x3FB0]  }
0x2a: {  	p0 =	seq.s32 s5, $0x0;
	s5 =	sld [smem:$0x3FB1]  }
0x2b: {  	s6 =	sld [smem:$0x3FB2]  }
0x2c: {  	s7 =	sld [smem:$0x3FB3]  }
0x2d: {  	s3 =	simm.s32 $0x108;
	s8 =	sld [smem:$0x3FB4]  }
0x2e: {  	s3 =	simm.s32 @!p0 $0x1082;
	s9 =	sld [smem:$0x3FB5]  }
0x2f: {  	lr =	sadd.s32 s0, s3;
	s0 =	sld [smem:$0x3FAC]  }
0x30: {  	s3 =	sld [smem:$0x3FAF]  }
0x31: {  	[smem:$0x3FB8] =	sst s10  }
0x32: {  	s10 =	sld [smem:$0x3FB6];
	_ =	sdelay $0x3  }
0x33: {  	p0 =	seq.s32 s10, $0x1;
	s10 =	sld [smem:$0x3FB8];
	_ =	sdelay $0x3  }
0x34: {  	[smem:$0x3FB8] =	sst s10  }
0x35: {  	s10 =	sld [smem:$0x3FB7];
	_ =	sdelay $0x3  }
0x36: {  	p1 =	seq.s32 s10, $0x1;
	s10 =	sld [smem:$0x3FB8];
	_ =	sdelay $0x3  }
0x37: {  	[smem:$0x3FB8] =	sst s10  }
0x38: {  	s10 =	sld [smem:$0x3FB9]  }
0x39: {  	_ = 	snop;
	(pc) =	sbr.ind lr, $3  }
0x3a: {  	_ = 	snop  }
0x3b: {  	_ = 	snop  }
0x3c: {  	p2 =	seq.s32 s10, $0x1;
	s10 =	sld [smem:$0x3FB8]  }
0x3d: {  	_ =	shalt  }
0x3e: {  	_ =	shalt  }
0x3f: {  	_ =	shalt  }
0x40: {  	_ =	shalt  }
0x41: {  	_ =	shalt  }
0x42: {  	_ =	shalt  }
0x43: {  	_ =	shalt  }
0x44: {  	_ =	shalt  }
0x45: {  	_ =	shalt  }
0x46: {  	_ =	shalt  }
0x47: {  	_ =	shalt  }
0x48: {  	_ =	shalt  }
0x49: {  	_ =	shalt  }
0x4a: {  	_ =	shalt  }
0x4b: {  	_ =	shalt  }
0x4c: {  	_ =	shalt  }
0x4d: {  	_ =	shalt  }
0x4e: {  	_ =	shalt  }
0x4f: {  	_ =	shalt  }
0x50: {  	_ =	shalt  }
0x51: {  	_ =	shalt  }
0x52: {  	_ =	shalt  }
0x53: {  	_ =	shalt  }
0x54: {  	_ =	shalt  }
0x55: {  	_ =	shalt  }
0x56: {  	_ =	shalt  }
0x57: {  	_ =	shalt  }
0x58: {  	_ =	shalt  }
0x59: {  	_ =	shalt  }
0x5a: {  	_ =	shalt  }
0x5b: {  	_ =	shalt  }
0x5c: {  	_ =	shalt  }
0x5d: {  	_ =	shalt  }
0x5e: {  	_ =	shalt  }
0x5f: {  	_ =	shalt  }
0x60: {  	_ =	shalt  }
0x61: {  	_ =	shalt  }
0x62: {  	_ =	shalt  }
0x63: {  	_ =	shalt  }
0x64: {  	_ =	shalt  }
0x65: {  	_ =	shalt  }
0x66: {  	_ =	shalt  }
0x67: {  	_ =	shalt  }
0x68: {  	_ =	shalt  }
0x69: {  	_ =	shalt  }
0x6a: {  	_ =	shalt  }
0x6b: {  	_ =	shalt  }
0x6c: {  	_ =	shalt  }
0x6d: {  	_ =	shalt  }
0x6e: {  	_ =	shalt  }
0x6f: {  	_ =	shalt  }
0x70: {  	_ =	shalt  }
0x71: {  	_ =	shalt  }
0x72: {  	_ =	shalt  }
0x73: {  	_ =	shalt  }
0x74: {  	_ =	shalt  }
0x75: {  	_ =	shalt  }
0x76: {  	_ =	shalt  }
0x77: {  	_ =	shalt  }
0x78: {  	_ =	shalt  }
0x79: {  	_ =	shalt  }
0x7a: {  	_ =	shalt  }
0x7b: {  	_ =	shalt  }
0x7c: {  	_ =	shalt  }
0x7d: {  	_ =	shalt  }
0x7e: {  	_ =	shalt  }
0x7f: {  	_ =	shalt  }
0x80: {  	_ =	shalt  }
0x81: {  	_ =	shalt  }
0x82: {  	_ =	shalt  }
0x83: {  	_ =	shalt  }
0x84: {  	_ =	shalt  }
0x85: {  	_ =	shalt  }
0x86: {  	_ =	shalt  }
0x87: {  	_ =	shalt  }
.Lfunc_end0:
.L_simem_size_0:
called_computation_lowered:
.L_overlay_start_0:
0x88: {  	s2 =	sld [smem:$0x3FD9]  }
0x89: {  	s3 =	sld [smem:$0x3FFE];
	_ =	sdelay $0x1  }
0x8a: {  	s1 =	srdreg.scid  }
0x8b: {  	s0 =	sand.u32 $0x1, s1  }
0x8c: {  	s17 =	sshll.u32 s0, $0xA;
	s2 =	sadd.s32 s3, s2  }
0x8d: {  	s2 =	sadd.s32 s2, s17  }
0x8e: {  	[smem:$0x3FC4] =	sst s2  }
0x8f: {  	_ = 	snop  }
0x90: {  	s2 =	sld [smem:$0x3FC8];
	(tm) =	ssettm $0x1  }
0x91: {  	s18 =	sld [smem:$0x3FFB];
	_ =	sdelay $0x3  }
0x92: {  	_ =	strace s18  }
0x93: {  	s3 =	sld [smem:$0x3FFC];
	_ =	sdelay $0x3  }
0x94: {  	_ =	strace s3  }
0x95: {  	s3 =	sld [smem:$0x3FFD];
	_ =	sdelay $0x3  }
0x96: {  	_ =	strace s3  }
0x97: {  	_ =	strace $0x8FFFFFFF  }
0x98: {  	s19 =	sld [smem:$0x3FDB];
	_ =	sdelay $0x1  }
0x99: {  	s4 =	simm.s32 $_scs_section_size  }
0x9a: {  	s5 =	simm.s32 $_size__tile_overlayer_lowered;
	s6 =	simm.s32 $_tile_overlayer_lowered  }
0x9b: {  	s22 =	simm.s32 $0x1BFF;
	s21 =	sshll.u32 s6, $0x1;
	s3 =	sadd.s32 s4, s19  }
0x9c: {  	s7 =	simm.s32 $0x0;
	s20 =	sshll.u32 s5, $0x1;
	s5 =	sadd.s32 s21, s3  }
0x9d: {  	[timem:s7], [sflag:s22] =	dma.local [hbm:s5], s20  }
0x9e: {  	_ =	swait.ge [sflag:s22], s20  }
0x9f: {  	s4 =	ssub.s32 $0x0, s20;
	[sflag:s22] =	ssyncset.done $0x0  }
0xa0: {  	[sflag:s22] =	ssyncadd.s32 s4;
	_ =	sdelay $0x1  }
0xa1: {  	s23 =	simm.s32 $0x1B8B  }
0xa2: {  	_ =	swait.ge [sflag:s23], $0x1  }
0xa3: {  	[sflag:s23] =	ssyncset.done $0x0  }
0xa4: {  	s25 =	simm.s32 $0x1B8E;
	s24 =	sld [smem:$0x3FFE];
	[sflag:s23] =	ssyncadd.s32 $0xFFFFFFFF  }
0xa5: {  	s26 =	simm.s32 $execute0_lowered;
	[smem:$0x3FD2] =	sst s25  }
0xa6: {  	s5 =	sshll.u32 s26, $0x1;
	_ =	strace $0x80000046;
	[dreg:$0x1] =	wrdreg $0xFFFFFFFF  }
0xa7: {  	s28 =	simm.s32 $_size_execute0_lowered;
	s3 =	sadd.s32 s3, s5;
	[dreg:$0x0] =	wrdreg $0x0  }
0xa8: {  	s5 =	sshll.u32 s28, $0x1;
	[dreg:$0x2] =	wrdreg s3  }
0xa9: {  	[dreg:$0x3] =	wrdreg s5  }
0xaa: {  	[dreg:$0x4] =	wrdreg $0xC0  }
0xab: {  	_ =	task [dreg:s7], $0x5FFFF  }
0xac: {  	[dreg:$0x1] =	wrdreg $0xFFFFFFFF  }
0xad: {  	[dreg:$0x0] =	wrdreg $0x60  }
0xae: {  	[dreg:$0x2] =	wrdreg s24  }
0xaf: {  	[dreg:$0x3] =	wrdreg s2  }
0xb0: {  	[dreg:$0x4] =	wrdreg $0x51000  }
0xb1: {  	[dreg:$0x5] =	wrdreg $0x9  }
0xb2: {  	_ =	task.clear_ibuf [dreg:s7], $0x6FFFF;
	_ =	strace $0x90000046  }
0xb3: {  	s29 =	simm.s32 $0x9;
	_ =	strace $0x80000048  }
0xb4: {  	_ =	swait.ge [sflag:s29], $0x1  }
0xb5: {  	[sflag:s29] =	ssyncadd.s32 $0xFFFFFFFF  }
0xb6: {  	_ =	strace $0x90000048  }
0xb7: {  	_ =	sfence  }
0xb8: {  	s30 =	sld [smem:$0x0];
	_ =	sdelay $0x2  }
0xb9: {  	s31 =	sshll.u32 s1, $0xD;
	s1 =	sshrl.u32 s1, $0x2  }
0xba: {  	s3 =	sand.u32 $0x4000, s31;
	s1 =	sadd.s32 s1, s30  }
0xbb: {  	s0 =	sor.u32 s3, s0;
	s1 =	sshll.u32 s1, $0x11  }
0xbc: {  	s0 =	sor.u32 s1, s0  }
0xbd: {  	s0 =	sadd.s32 $0x8F2B, s0  }
0xbe: {  	[sflag:s0] =	ssyncadd.remote.s32 $0x1  }
0xbf: {  	_ =	sfence.sel $0xFFFF  }
0xc0: {  	[dreg:$0x0] =	wrdreg $0xFFFFFFFF;
	(pc) =	sbr.abs _section_cstart, $3  }
0xc1: {  	[dreg:$0x1] =	wrdreg $0xFFFFFFFF  }
0xc2: {  	_ =	task.clear_ibuf [dreg:s7], $0x2FFFF;
	_ =	strace $0x9FFFFFFF  }
0xc3: {  	(tm) =	ssettm $0x7FFFFFFF  }
tec
execute0_lowered:
.L_overlay_start_1:
0x0: {  	(tag) =	ssettag $0x1  }
0x1: {  	s5 =	rddreg [dreg:$0x0]  }
0x2: {  	s2 =	rddreg [dreg:$0x1];
	s1 =	stileid.u32  }
0x3: {  	s3 =	rddreg [dreg:$0x2];
	s6 =	smul.u32 $0x14000, s1  }
0x4: {  	s0 =	rddreg [dreg:$0x3];
	s23 =	smul.u32 $0x50000, s1  }
0x5: {  	s4 =	simm.s32 $0x0;
	s7 =	srdreg.scid;
	s17 =	smul.u32 $0x27100, s1  }
0x6: {  	s19 =	simm.s32 $0x0;
	s7 =	sand.u32 $0x1, s7;
	s18 =	smul.u32 $0x2710, s1  }
0x7: {  	[smem:$0x7FF] =	sst s4;
	s10 =	sadd.s32 $0x800, s5;
	s9 =	smul.u32 $0x140000, s7  }
0x8: {  	s26 =	sshll.u32 s1, $0x6;
	_ =	strace $0x80000047;
	s15 =	smul.u32 $0x271000, s7  }
0x9: {  	s11 =	sshll.u32 s7, $0x4;
	s12 =	ssub.s32 $0x2, s7;
	s29 =	smul.u32 $0x27100, s7  }
0xa: {  	s8 =	sshrl.u32 s6, $0x3;
	s11 =	sor.u32 s1, s11;
	s24 =	sshrl.u32 s12, $0x1  }
0xb: {  	s25 =	sshrl.u32 s23, $0x2;
	s8 =	sadd.s32 s8, s5;
	s13 =	smul.u32 $0x2710, s11  }
0xc: {  	s6 =	sadd.s32 s6, s9;
	s11 =	smul.u32 $0x27100, s11;
	s12 =	ssub.s32 s12, s24  }
0xd: {  	s16 =	sadd.s32 s25, s3;
	s30 =	sadd.s32 s15, s10;
	s31 =	sadd.s32 s18, s29  }
0xe: {  	s15 =	simm.s32 $0x100;
	s18 =	simm.s32 $0x4;
	s6 =	sshrl.u32 s6, $0x3  }
0xf: {  	s14 =	sadd.s32 s6, s5;
	s5 =	sadd.s32 $0x4E2800, s8;
	s28 =	sshrl.u32 s13, $0x3  }
0x10: {  	s6 =	sor.u32 $0x1C03, s26;
	s8 =	sadd.s32 s10, s11;
	s10 =	smax.u32 s12, $0x1  }
0x11: {  	s11 =	sadd.s32 s17, s30;
	s12 =	sadd.s32 $0x50, s31;
	s13 =	sshrl.u32 s16, $0x3  }
0x12: {  	s16 =	simm.s32 $0x1;
	s17 =	simm.s32 $0x50;
	s7 =	sadd.s32 s2, s28  }
0x13: {  	s9 =	sadd.s32 $0x50A800, s14;
	s11 =	sadd.s32 $0x500, s11;
	s14 =	simm.s32 $0x3  }
.LBB2_1:
0x14: {  	[spmem:s13], [sflag:s6] =	dma.local [hbm:s5], $0x2800  }
0x15: {  	_ =	swait.ge [sflag:s14], $0x2800  }
0x16: {  	[sflag:s14] =	ssyncset.done $0x0  }
0x17: {  	[sflag:s14] =	ssyncadd.s32 $0xFFFFD800  }
0x18: {  	s20 =	sand.u32 $0x1, s4;
	[bflag:$0x0] =	sbarrier.arrive $0xFFFF  }
0x19: {  	[tilespmem:s4], [sflag:$0x1] =	stream.linear.gather [hbm4b:s7+s4], $0x50, $0x38;
	[tilespmem:$0x19100] =	vst v63  }
0x1a: {  	s30 =	sshrl.u32 s12, $0x3;
	p0 =	seq.s32 s20, $0x1  }
0x1b: {  	[tilespmem:s15], [sflag:$0x1] =	stream.linear.gather [hbm4b:s8+s4], $0x2800, $0x38;
	[tilespmem:$0x19100] =	vst v63  }
0x1c: {  	s20 =	sadd.s32 s2, s30;
	s21 =	simm.s32 @p0 $0x0  }
0x1d: {  	[tilespmem:s21], [sflag:$0x1] =	stream.linear.gather @p0 [hbm4b:s20+s21], $0x50, $0x38;
	[tilespmem:$0x19100] =	vst v63  }
0x1e: {  	s22 =	simm.s32 @p0 $0x100;
	s23 =	simm.s32 @p0 $0x2  }
0x1f: {  	[tilespmem:s22], [sflag:$0x1] =	stream.linear.gather @p0 [hbm4b:s11+s21], $0x2800, $0x38;
	[tilespmem:$0x19100] =	vst v63  }
0x20: {  	_ =	swait.ge @p0 [sflag:s23], $0x50  }
0x21: {  	[sflag:s23] =	ssyncset.done @p0 $0x0  }
0x22: {  	[sflag:s23] =	ssyncadd.s32 @p0 $0xFFFFFFB0  }
0x23: {  	_ =	swait.ge @p0 [sflag:s23], $0x2800  }
0x24: {  	s21 =	simm.s32 @p0 $0x2900;
	[sflag:s23] =	ssyncset.done @p0 $0x0  }
0x25: {  	s22 =	simm.s32 @p0 $0x50;
	[sflag:s23] =	ssyncadd.s32 @p0 $0xFFFFD800;
	s23 =	simm.s32 @p0 $0x80  }
0x26: {  	[spmem:s3] =	stream.indirect.scatter.add.f32 @p0 [tilespmem:s21], [sflag:$0x3], $0x80, s23, s22, $0xb8;
	[tilespmem:$0x19100] =	vst v63  }
0x27: {  	s22 =	simm.s32 @!p0 $0x0;
	s21 =	simm.s32 @!p0 $0x80  }
0x28: {  	[tilespmem:s21], [sflag:$0x2] =	stream.linear.gather @!p0 [hbm4b:s20+s22], $0x50, $0x38;
	[tilespmem:$0x19100] =	vst v63  }
0x29: {  	s24 =	simm.s32 @!p0 $0x1;
	s20 =	simm.s32 @!p0 $0x2900  }
0x2a: {  	[tilespmem:s20], [sflag:$0x2] =	stream.linear.gather @!p0 [hbm4b:s11+s22], $0x2800, $0x38;
	[tilespmem:$0x19100] =	vst v63  }
0x2b: {  	_ =	swait.ge @!p0 [sflag:s24], $0x50  }
0x2c: {  	[sflag:s24] =	ssyncset.done @!p0 $0x0  }
0x2d: {  	s25 =	simm.s32 $0x1;
	[sflag:s24] =	ssyncadd.s32 @!p0 $0xFFFFFFB0  }
0x2e: {  	s31 =	sand.u32 $0x1, s25;
	s23 =	simm.s32 @!p0 $0x4;
	_ =	swait.ge @!p0 [sflag:s24], $0x2800  }
0x2f: {  	s26 =	simm.s32 @!p0 $0x100;
	s23 =	simm.s32 @p0 $0x3;
	[sflag:s24] =	ssyncset.done @!p0 $0x0  }
0x30: {  	s21 =	simm.s32 $0x2;
	[sflag:s24] =	ssyncadd.s32 @!p0 $0xFFFFD800;
	s24 =	simm.s32 @!p0 $0x50  }
0x31: {  	[spmem:s3] =	stream.indirect.scatter.add.f32 @!p0 [tilespmem:s26], [sflag:$0x4], $0x80, s22, s24, $0xb8;
	[tilespmem:$0x19100] =	vst v63  }
0x32: {  	s20 =	sadd.s32 $0x500, s11;
	s22 =	sadd.s32 $0x50, s12;
	_ =	swait.ge [sflag:s23], $0x2800  }
0x33: {  	p0 =	seq.s32 s31, $0x1;
	s24 =	sshrl.u32 s22, $0x3;
	[sflag:s23] =	ssyncset.done $0x0  }
.LBB2_2:
0x34: {  	s24 =	sadd.s32 s2, s24  }
0x35: {  	s25 =	simm.s32 @p0 $0x0;
	[sflag:s23] =	ssyncadd.s32 $0xFFFFD800;
	s26 =	smov.u32 s21  }
0x36: {  	[tilespmem:s25], [sflag:$0x1] =	stream.linear.gather @p0 [hbm4b:s24+s25], $0x50, $0x38;
	[tilespmem:$0x19100] =	vst v63  }
0x37: {  	s21 =	sadd.s32 $0x1, s21;
	s23 =	simm.s32 @p0 $0x100;
	s28 =	simm.s32 @p0 $0x2  }
0x38: {  	[tilespmem:s23], [sflag:$0x1] =	stream.linear.gather @p0 [hbm4b:s20+s25], $0x2800, $0x38;
	[tilespmem:$0x19100] =	vst v63  }
0x39: {  	p1 =	sne.s32 s21, $0x7C;
	_ =	swait.ge @p0 [sflag:s28], $0x50  }
0x3a: {  	[sflag:s28] =	ssyncset.done @p0 $0x0  }
0x3b: {  	[sflag:s28] =	ssyncadd.s32 @p0 $0xFFFFFFB0  }
0x3c: {  	_ =	swait.ge @p0 [sflag:s28], $0x2800  }
0x3d: {  	s23 =	simm.s32 @p0 $0x2900;
	[sflag:s28] =	ssyncset.done @p0 $0x0  }
0x3e: {  	s25 =	simm.s32 @p0 $0x50;
	[sflag:s28] =	ssyncadd.s32 @p0 $0xFFFFD800;
	s28 =	simm.s32 @p0 $0x80  }
0x3f: {  	[spmem:s3] =	stream.indirect.scatter.add.f32 @p0 [tilespmem:s23], [sflag:$0x3], $0x80, s28, s25, $0xb8;
	[tilespmem:$0x19100] =	vst v63  }
0x40: {  	s25 =	simm.s32 @!p0 $0x0;
	s23 =	simm.s32 @!p0 $0x80  }
0x41: {  	[tilespmem:s23], [sflag:$0x2] =	stream.linear.gather @!p0 [hbm4b:s24+s25], $0x50, $0x38;
	[tilespmem:$0x19100] =	vst v63  }
0x42: {  	s23 =	simm.s32 @!p0 $0x2900;
	s24 =	simm.s32 @!p0 $0x1  }
0x43: {  	[tilespmem:s23], [sflag:$0x2] =	stream.linear.gather @!p0 [hbm4b:s20+s25], $0x2800, $0x38;
	[tilespmem:$0x19100] =	vst v63  }
0x44: {  	_ =	swait.ge @!p0 [sflag:s24], $0x50  }
0x45: {  	[sflag:s24] =	ssyncset.done @!p0 $0x0  }
0x46: {  	[sflag:s24] =	ssyncadd.s32 @!p0 $0xFFFFFFB0  }
0x47: {  	s28 =	simm.s32 @!p0 $0x100;
	s20 =	sadd.s32 $0x500, s20;
	_ =	swait.ge @!p0 [sflag:s24], $0x2800  }
.Ltmp0:
0x48: {  	s23 =	simm.s32 @!p0 $0x4;
	[sflag:s24] =	ssyncset.done @!p0 $0x0;
	(pc) =	sbr.rel @p1 .LBB2_2-.Ltmp0, $4  }
0x49: {  	s23 =	simm.s32 @p0 $0x3;
	[sflag:s24] =	ssyncadd.s32 @!p0 $0xFFFFD800;
	s24 =	simm.s32 @!p0 $0x50  }
0x4a: {  	[spmem:s3] =	stream.indirect.scatter.add.f32 @!p0 [tilespmem:s28], [sflag:$0x4], $0x80, s25, s24, $0xb8;
	[tilespmem:$0x19100] =	vst v63  }
0x4b: {  	s22 =	sadd.s32 $0x50, s22;
	s24 =	sand.u32 $0x1, s26;
	_ =	swait.ge [sflag:s23], $0x2800  }
0x4c: {  	p0 =	seq.s32 s24, $0x1;
	s24 =	sshrl.u32 s22, $0x3;
	[sflag:s23] =	ssyncset.done $0x0  }
0x4d: {  	s21 =	sadd.s32 s2, s24;
	s22 =	simm.s32 @p0 $0x0;
	[sflag:s23] =	ssyncadd.s32 $0xFFFFD800  }
0x4e: {  	[tilespmem:s22], [sflag:$0x1] =	stream.linear.gather @p0 [hbm4b:s21+s22], $0x50, $0x38;
	[tilespmem:$0x19100] =	vst v63  }
0x4f: {  	s23 =	simm.s32 @p0 $0x100;
	s24 =	simm.s32 @p0 $0x2  }
0x50: {  	[tilespmem:s23], [sflag:$0x1] =	stream.linear.gather @p0 [hbm4b:s20+s22], $0x2800, $0x38;
	[tilespmem:$0x19100] =	vst v63  }
0x51: {  	_ =	swait.ge @p0 [sflag:s24], $0x50  }
0x52: {  	[sflag:s24] =	ssyncset.done @p0 $0x0  }
0x53: {  	[sflag:s24] =	ssyncadd.s32 @p0 $0xFFFFFFB0  }
0x54: {  	_ =	swait.ge @p0 [sflag:s24], $0x2800  }
0x55: {  	s22 =	simm.s32 @p0 $0x2900;
	[sflag:s24] =	ssyncset.done @p0 $0x0  }
0x56: {  	s23 =	simm.s32 @p0 $0x50;
	[sflag:s24] =	ssyncadd.s32 @p0 $0xFFFFD800;
	s24 =	simm.s32 @p0 $0x80  }
0x57: {  	[spmem:s3] =	stream.indirect.scatter.add.f32 @p0 [tilespmem:s22], [sflag:$0x3], $0x80, s24, s23, $0xb8;
	[tilespmem:$0x19100] =	vst v63  }
0x58: {  	s22 =	simm.s32 @!p0 $0x0;
	s23 =	simm.s32 @!p0 $0x80  }
0x59: {  	[tilespmem:s23], [sflag:$0x2] =	stream.linear.gather @!p0 [hbm4b:s21+s22], $0x50, $0x38;
	[tilespmem:$0x19100] =	vst v63  }
0x5a: {  	s21 =	simm.s32 @!p0 $0x2900;
	s23 =	simm.s32 @!p0 $0x1  }
0x5b: {  	[tilespmem:s21], [sflag:$0x2] =	stream.linear.gather @!p0 [hbm4b:s20+s22], $0x2800, $0x38;
	[tilespmem:$0x19100] =	vst v63  }
0x5c: {  	_ =	swait.ge @!p0 [sflag:s23], $0x50  }
0x5d: {  	[sflag:s23] =	ssyncset.done @!p0 $0x0  }
0x5e: {  	[sflag:s23] =	ssyncadd.s32 @!p0 $0xFFFFFFB0  }
0x5f: {  	_ =	swait.ge @!p0 [sflag:s23], $0x2800  }
0x60: {  	s20 =	simm.s32 @!p0 $0x100;
	s21 =	simm.s32 @!p0 $0x4;
	[sflag:s23] =	ssyncset.done @!p0 $0x0  }
0x61: {  	s21 =	simm.s32 @p0 $0x3;
	[sflag:s23] =	ssyncadd.s32 @!p0 $0xFFFFD800;
	s23 =	simm.s32 @!p0 $0x50  }
0x62: {  	[spmem:s3] =	stream.indirect.scatter.add.f32 @!p0 [tilespmem:s20], [sflag:$0x4], $0x80, s22, s23, $0xb8;
	[tilespmem:$0x19100] =	vst v63  }
0x63: {  	_ =	swait.ge [sflag:s21], $0x2800  }
0x64: {  	[sflag:s21] =	ssyncset.done $0x0  }
0x65: {  	[sflag:s21] =	ssyncadd.s32 $0xFFFFD800  }
0x66: {  	_ =	swait.ge [sflag:s16], $0x50  }
0x67: {  	[sflag:s16] =	ssyncset.done $0x0  }
0x68: {  	[sflag:s16] =	ssyncadd.s32 $0xFFFFFFB0  }
0x69: {  	_ =	swait.ge [sflag:s16], $0x2800  }
0x6a: {  	[sflag:s16] =	ssyncset.done $0x0  }
0x6b: {  	[sflag:s16] =	ssyncadd.s32 $0xFFFFD800  }
0x6c: {  	[spmem:s3] =	stream.indirect.scatter.add.f32 [tilespmem:s15], [sflag:$0x4], $0x80, s4, s17, $0xb8;
	[tilespmem:$0x19100] =	vst v63  }
0x6d: {  	_ =	swait.ge [sflag:s18], $0x2800  }
0x6e: {  	s19 =	sadd.s32 $0x1, s19;
	[sflag:s18] =	ssyncset.done $0x0  }
0x6f: {  	p0 =	sne.s32 s19, s10;
	[sflag:s18] =	ssyncadd.s32 $0xFFFFD800  }
.Ltmp1:
0x70: {  	[bflag:$0x0] =	sbarrier.arrive $0xFFFF;
	(pc) =	sbr.rel @p0 .LBB2_1-.Ltmp1, $4  }
0x71: {  	[hbm:s9], [sflag:s6] =	dma.local [spmem:s13], $0x2800  }
0x72: {  	_ =	swait.ge [sflag:s14], $0x2800  }
0x73: {  	[sflag:s14] =	ssyncset.done $0x0  }
0x74: {  	[sflag:s14] =	ssyncadd.s32 $0xFFFFD800  }
0x75: {  	_ =	sfence.sel $0x180000  }
0x76: {  	[bflag:$0x0] =	sbarrier.arrive $0xFFFF  }
0x77: {  	p0 =	sne.s32 s1, $0x0;
	_ =	strace $0x90000047  }
0x78: {  	s0 =	sadd.s32 @!p0 $0x100000, s0;
	[bflag:$0x2] =	sbarrier.arrive $0xFFFF  }
0x79: {  	[sflag:s0] =	ssyncadd.tile.s32 @!p0 $0x1;
	_ =	shalt  }
.Lfunc_end2:
_tile_overlayer_lowered:
.L_overlay_start_2:
0x7a: {  	(tag) =	ssettag $0x2  }
0x7b: {  	s0 =	rddreg [dreg:$0x0];
	s2 =	stileid.u32  }
0x7c: {  	s1 =	rddreg [dreg:$0x1];
	p0 =	sne.s32 s2, $0x0  }
0x7d: {  	s3 =	rddreg [dreg:$0x2];
	[bflag:$0x3] =	sbarrier.arrive $0xFFFF;
	s2 =	simm.s32 @!p0 $0x1C03  }
0x7e: {  	[timem:s3], [sflag:s2] =	dma.local @!p0 [hbm:s0], s1  }
0x7f: {  	s0 =	simm.s32 @!p0 $0x3  }
0x80: {  	_ =	swait.ge @!p0 [sflag:s0], s1  }
0x81: {  	s1 =	ssub.s32 @!p0 $0x0, s1;
	[sflag:s0] =	ssyncset.done @!p0 $0x0  }
0x82: {  	[sflag:s0] =	ssyncadd.s32 @!p0 s1  }
0x83: {  	[bflag:$0x3] =	sbarrier.arrive $0xFFFF  }
0x84: {  	_ =	shalt  }

</sc_bundles>
